<compile_context>
chip_gen: v7x
topology: tpu7x:2x2x1
jax: 0.10.2.dev20260603
libtpu: 0.0.44.dev20260713+nightly
codegen_flags: <defaults>
</compile_context>

<pallas_src>
import jax
import jax.numpy as jnp
from jax.experimental import pallas as pl


def _concat_body(xyz_ref, pts_ref, out_ref):
    out_ref[0:3] = xyz_ref[0].reshape(8, 64, 128)[0:3]
    out_ref[3:] = pts_ref[0].reshape(64, 64, 128)


def kernel(xyz, points):
    B, N, C = xyz.shape
    D = points.shape[-1]
    F = C + D
    NL = N // 128
    xyz_p = jnp.pad(jnp.transpose(xyz, (0, 2, 1)), ((0, 0), (0, 8 - C), (0, 0)))
    pts_t = jnp.transpose(points, (0, 2, 1))
    out_t = pl.pallas_call(
        _concat_body,
        grid=(B,),
        in_specs=[
            pl.BlockSpec((1, 8, N), lambda b: (b, 0, 0)),
            pl.BlockSpec((1, D, N), lambda b: (b, 0, 0)),
        ],
        out_specs=pl.BlockSpec((F, NL, 128), lambda b: (b, 0, 0)),
        out_shape=jax.ShapeDtypeStruct((B * F, NL, 128), xyz.dtype),
    )(xyz_p, pts_t)
    new_xyz = jnp.zeros((B, 1, C), dtype=xyz.dtype)
    out4 = out_t.reshape(B, F, 1, N)
    return new_xyz, jnp.transpose(out4, (0, 2, 3, 1))

# --- scband reference (transcript-rebuilt; emitter-appended) ---
"""Pipeline reference for scband-point-net-sa-module-basic-33071248179389 (READ-ONLY COPY).

The authoritative reference and input builder live on the scoring server;
editing this copy changes nothing except your own understanding.
"""

import jax, jax.numpy as jnp
import numpy as np

def setup_inputs(seed: int = 0) -> dict:
    key = jax.random.key(seed)
    k1, k2 = jax.random.split(key)
    xyz = jax.random.normal(k1, (32, 8192, 3), dtype=jnp.float32)
    points = jax.random.normal(k2, (32, 8192, 64), dtype=jnp.float32)
    return {"xyz": xyz, "points": points}

def reference(xyz, points):
    # Faithful translation of PointNet_SA_module_basic.sample_and_group_all
    # (the only runnable entry point: forward is undefined and other paths
    # require the libsift CUDA extension).
    B, N, C = xyz.shape
    new_xyz = jnp.zeros((B, 1, C), dtype=xyz.dtype)
    grouped_xyz = xyz.reshape(B, 1, N, C)
    if points is not None:
        new_points = jnp.concatenate([grouped_xyz, points.reshape(B, 1, N, -1)], axis=-1)
    else:
        new_points = grouped_xyz
    return (new_xyz, new_points)

if __name__ == "__main__":
    import jax
    _d = setup_inputs()
    print(jax.jit(kernel)(*tuple(_d.values())))

</pallas_src>

<mosaic_0001>
module attributes {stable_mosaic.version = 14 : i64} {
  func.func @_concat_body(%arg0: i32, %arg1: memref<1x8x8192xf32, #tpu.memory_space<vmem>>, %arg2: memref<1x64x8192xf32, #tpu.memory_space<vmem>>, %arg3: memref<67x64x128xf32, #tpu.memory_space<vmem>>) attributes {dimension_semantics = [#tpu.dimension_semantics<arbitrary>], iteration_bounds = array<i64: 32>, scalar_prefetch = 0 : i64, scratch_operands = 0 : i64, tpu.core_type = #tpu.core_type<tc>, window_params = [{transform_indices = @transform_0, window_bounds = array<i64: 1, 8, 8192>}, {transform_indices = @transform_1, window_bounds = array<i64: 1, 64, 8192>}, {transform_indices = @transform_2, window_bounds = array<i64: 67, 64, 128>}]} {
    %get3A = arith.constant 0 : index
    %get3A_0 = arith.constant 0 : index
    %get3A_1 = arith.constant 0 : index
    %get3A_2 = vector.load %arg1[%get3A, %get3A_0, %get3A_1] : memref<1x8x8192xf32, #tpu.memory_space<vmem>>, vector<1x8x8192xf32>
    %get3A_3 = vector.shape_cast %get3A_2 : vector<1x8x8192xf32> to vector<8x8192xf32>
    %reshape3A = vector.shape_cast %get3A_3 : vector<8x8192xf32> to vector<8x64x128xf32>
    %slice3A = vector.extract_strided_slice %reshape3A {offsets = [0, 0, 0], sizes = [3, 64, 128], strides = [1, 1, 1]} : vector<8x64x128xf32> to vector<3x64x128xf32>
    %swap3A = arith.constant 0 : index
    %swap3A_4 = arith.constant 0 : index
    %swap3A_5 = arith.constant 0 : index
    %swap3A_6 = vector.load %arg3[%swap3A, %swap3A_4, %swap3A_5] : memref<67x64x128xf32, #tpu.memory_space<vmem>>, vector<3x64x128xf32>
    tpu.vector_store %arg3[%swap3A, %swap3A_4, %swap3A_5], %slice3A {strides = array<i32>} : memref<67x64x128xf32, #tpu.memory_space<vmem>>, vector<3x64x128xf32>,
    %get3A_7 = arith.constant 0 : index
    %get3A_8 = arith.constant 0 : index
    %get3A_9 = arith.constant 0 : index
    %get3A_10 = vector.load %arg2[%get3A_7, %get3A_8, %get3A_9] : memref<1x64x8192xf32, #tpu.memory_space<vmem>>, vector<1x64x8192xf32>
    %get3A_11 = vector.shape_cast %get3A_10 : vector<1x64x8192xf32> to vector<64x8192xf32>
    %reshape3A_12 = vector.shape_cast %get3A_11 : vector<64x8192xf32> to vector<64x64x128xf32>
    %swap3A_13 = arith.constant 3 : index
    %swap3A_14 = arith.constant 0 : index
    %swap3A_15 = arith.constant 0 : index
    %swap3A_16 = vector.load %arg3[%swap3A_13, %swap3A_14, %swap3A_15] : memref<67x64x128xf32, #tpu.memory_space<vmem>>, vector<64x64x128xf32>
    tpu.vector_store %arg3[%swap3A_13, %swap3A_14, %swap3A_15], %reshape3A_12 {strides = array<i32>} : memref<67x64x128xf32, #tpu.memory_space<vmem>>, vector<64x64x128xf32>,
    return
  }
  func.func @transform_0(%arg0: i32) -> (i32, i32, i32) {
    %c0_i32 = arith.constant 0 : i32
    %c0_i32_0 = arith.constant 0 : i32
    %c0_i32_1 = arith.constant 0 : i32
    return %arg0, %c0_i32, %c0_i32_0 : i32, i32, i32
  }
  func.func @transform_1(%arg0: i32) -> (i32, i32, i32) {
    %c0_i32 = arith.constant 0 : i32
    %c0_i32_0 = arith.constant 0 : i32
    %c0_i32_1 = arith.constant 0 : i32
    return %arg0, %c0_i32, %c0_i32_0 : i32, i32, i32
  }
  func.func @transform_2(%arg0: i32) -> (i32, i32, i32) {
    %c0_i32 = arith.constant 0 : i32
    %c0_i32_0 = arith.constant 0 : i32
    %c0_i32_1 = arith.constant 0 : i32
    return %arg0, %c0_i32, %c0_i32_0 : i32, i32, i32
  }
}

</mosaic_0001>

<sc_bundles>
// kernel: sparse-core-data-format-call.cloned.1.call-start
scs
called_computation_lowered:
.L_overlay_start_0:
0x0: {  	s2 =	sld [smem:$0x3FD9]  }
0x1: {  	s3 =	sld [smem:$0x3FFE];
	_ =	sdelay $0x1  }
0x2: {  	s1 =	srdreg.scid  }
0x3: {  	s0 =	sand.u32 $0x1, s1  }
0x4: {  	s15 =	sshll.u32 s0, $0xA;
	s2 =	sadd.s32 s3, s2  }
0x5: {  	s2 =	sadd.s32 s2, s15  }
0x6: {  	[smem:$0x3FC6] =	sst s2  }
0x7: {  	_ = 	snop  }
0x8: {  	s2 =	sld [smem:$0x3FD0];
	_ =	sdelay $0x2  }
0x9: {  	s16 =	simm.s32 $0xA;
	s4 =	simm.s32 $0x10  }
0xa: {  	[smem:s4], [sflag:s16] =	dma.local [hbm:s2], $0x1  }
0xb: {  	_ =	swait.eq [sflag:s16], $0x1  }
0xc: {  	[sflag:s16] =	ssyncset.done $0x0  }
0xd: {  	[sflag:s16] =	ssyncadd.s32 $0xFFFFFFFF  }
0xe: {  	s17 =	sld [smem:$0x11];
	(tm) =	ssettm $0x1  }
0xf: {  	s18 =	sld [smem:$0x3FFB];
	_ =	sdelay $0x3  }
0x10: {  	_ =	strace s18  }
0x11: {  	s3 =	sld [smem:$0x3FFC];
	_ =	sdelay $0x3  }
0x12: {  	_ =	strace s3  }
0x13: {  	s3 =	sld [smem:$0x3FFD];
	_ =	sdelay $0x3  }
0x14: {  	_ =	strace s3  }
0x15: {  	_ =	strace $0x8FFFFFFF  }
0x16: {  	s19 =	sld [smem:$0x3FDB];
	_ =	sdelay $0x1  }
0x17: {  	s20 =	simm.s32 $_scs_section_size  }
0x18: {  	s5 =	simm.s32 $_size__tile_overlayer_lowered;
	s6 =	simm.s32 $_tile_overlayer_lowered  }
0x19: {  	s23 =	simm.s32 $0x1BFF;
	s22 =	sshll.u32 s6, $0x1;
	s3 =	sadd.s32 s20, s19  }
0x1a: {  	s7 =	simm.s32 $0x0;
	s21 =	sshll.u32 s5, $0x1;
	s5 =	sadd.s32 s22, s3  }
0x1b: {  	[timem:s7], [sflag:s23] =	dma.local [hbm:s5], s21  }
0x1c: {  	_ =	swait.ge [sflag:s23], s21  }
0x1d: {  	s4 =	ssub.s32 $0x0, s21;
	[sflag:s23] =	ssyncset.done $0x0  }
0x1e: {  	[sflag:s23] =	ssyncadd.s32 s4;
	_ =	sdelay $0x1  }
0x1f: {  	s24 =	simm.s32 $0x1B8B  }
0x20: {  	_ =	swait.ge [sflag:s24], $0x1  }
0x21: {  	[sflag:s24] =	ssyncset.done $0x0  }
0x22: {  	s26 =	simm.s32 $0x1B8E;
	s25 =	sld [smem:$0x3FFE];
	[sflag:s24] =	ssyncadd.s32 $0xFFFFFFFF  }
0x23: {  	s27 =	simm.s32 $execute0_lowered;
	[smem:$0x3FD2] =	sst s26  }
0x24: {  	s5 =	sshll.u32 s27, $0x1;
	_ =	strace $0x80000046;
	[dreg:$0x1] =	wrdreg $0xFFFFFFFF  }
0x25: {  	s28 =	simm.s32 $_size_execute0_lowered;
	s3 =	sadd.s32 s3, s5;
	[dreg:$0x0] =	wrdreg $0x0  }
0x26: {  	s5 =	sshll.u32 s28, $0x1;
	[dreg:$0x2] =	wrdreg s3  }
0x27: {  	[dreg:$0x3] =	wrdreg s5  }
0x28: {  	[dreg:$0x4] =	wrdreg $0xC0  }
0x29: {  	_ =	task [dreg:s7], $0x5FFFF  }
0x2a: {  	[dreg:$0x1] =	wrdreg $0xFFFFFFFF  }
0x2b: {  	[dreg:$0x0] =	wrdreg $0x60  }
0x2c: {  	[dreg:$0x2] =	wrdreg s25  }
0x2d: {  	[dreg:$0x3] =	wrdreg s17  }
0x2e: {  	[dreg:$0x4] =	wrdreg $0x9  }
0x2f: {  	_ =	task.clear_ibuf [dreg:s7], $0x5FFFF;
	_ =	strace $0x90000046  }
0x30: {  	s29 =	simm.s32 $0x9;
	_ =	strace $0x80000048  }
0x31: {  	_ =	swait.ge [sflag:s29], $0x1  }
0x32: {  	[sflag:s29] =	ssyncadd.s32 $0xFFFFFFFF  }
0x33: {  	_ =	strace $0x90000048  }
0x34: {  	_ =	sfence  }
0x35: {  	s30 =	sld [smem:$0x0];
	_ =	sdelay $0x2  }
0x36: {  	s31 =	sshll.u32 s1, $0xD;
	s1 =	sshrl.u32 s1, $0x2  }
0x37: {  	s3 =	sand.u32 $0x4000, s31;
	s1 =	sadd.s32 s1, s30  }
0x38: {  	s0 =	sor.u32 s3, s0;
	s1 =	sshll.u32 s1, $0x11  }
0x39: {  	s0 =	sor.u32 s1, s0  }
0x3a: {  	s0 =	sadd.s32 $0x8F2B, s0  }
0x3b: {  	[sflag:s0] =	ssyncadd.remote.s32 $0x1  }
0x3c: {  	_ =	sfence.sel $0xFFFF  }
0x3d: {  	[dreg:$0x0] =	wrdreg $0xFFFFFFFF;
	(pc) =	sbr.abs _section_cstart, $3  }
0x3e: {  	[dreg:$0x1] =	wrdreg $0xFFFFFFFF  }
0x3f: {  	_ =	task.clear_ibuf [dreg:s7], $0x2FFFF;
	_ =	strace $0x9FFFFFFF  }
0x40: {  	(tm) =	ssettm $0x7FFFFFFF  }
0x41: {  	_ =	shalt  }
tec
execute0_lowered:
.L_overlay_start_1:
0x0: {  	(tag) =	ssettag $0x1  }
0x1: {  	s1 =	rddreg [dreg:$0x0]  }
0x2: {  	s2 =	rddreg [dreg:$0x1]  }
0x3: {  	s0 =	rddreg [dreg:$0x2]  }
0x4: {  	s4 =	srdreg.scid;
	_ =	strace $0x80000047;
	s6 =	simm.s32 $0x2  }
0x5: {  	s14 =	simm.s32 $0x0;
	p0 =	por $0x0, $0x0;
	s15 =	simm.s32 $0x0  }
0x6: {  	s16 =	simm.s32 $0x0;
	s7 =	simm.s32 $0x0;
	s9 =	simm.s32 $0x0  }
.Ltmp0:
0x7: {  	s10 =	simm.s32 $0x0;
	s11 =	simm.s32 $0x0;
	(pc) =	sbr.rel .LBB1_1-.Ltmp0, $4  }
0x8: {  	s12 =	simm.s32 $0x0;
	s3 =	sadd.s32 $0x400, s1;
	s4 =	sshll.u32 s4, $0x4  }
0x9: {  	s1 =	stileid.u32;
	s5 =	sand.u32 $0x10, s4;
	s4 =	simm.s32 $0x1  }
0xa: {  	s8 =	simm.s32 $0x0;
	s5 =	sor.u32 s1, s5;
	[sflag:s4] =	ssyncpa.u1 $0x0  }
0xb: {  	[sflag:s6] =	ssyncpa.u1 $0x0;
	s6 =	simm.s32 $0x2000;
	s13 =	smov.u32 s5  }
.LBB1_7:
0xc: {  	p1 =	slt.u32 s8, $0x2  }
0xd: {  	s17 =	smov.u32 s16;
	p2 =	sgt.s32 @!p1 s16, $0x1F  }
0xe: {  	s18 =	sshra.s32 @!p1 s16, $0x1F;
	s19 =	sshra.s32 @!p1 s15, $0x1F;
	p2 =	por !p2, p1  }
0xf: {  	s16 =	sand.u32 @!p1 s18, s16;
	s17 =	simm.s32 @p2 $0x1F;
	p2 =	sgt.s32 @!p1 s15, $0x3B  }
0x10: {  	s18 =	smov.u32 s15;
	p2 =	por !p2, p1;
	s16 =	ssub.s32 @!p1 s17, s16  }
0x11: {  	s15 =	sand.u32 @!p1 s19, s15;
	s18 =	simm.s32 @p2 $0x3B;
	s17 =	sadd.s32 @!p1 $0xFFFFFFE1, s16  }
0x12: {  	p2 =	sgt.s32 @!p1 s14, $0x1800;
	s15 =	ssub.s32 @!p1 s18, s15;
	p3 =	sgt.s32 @!p1 s17, $0x0  }
0x13: {  	p2 =	por !p2, p1;
	s18 =	smov.u32 s14;
	s17 =	sadd.s32 @!p1 $0xFFFFFFC5, s15  }
0x14: {  	s18 =	simm.s32 @p2 $0x1800;
	p2 =	sgt.s32 @!p1 s17, $0x7;
	s17 =	sshra.s32 @!p1 s14, $0x1F  }
0x15: {  	s16 =	ssub.s32 @!p1 $0x20, s16;
	p3 =	por !p3, p1;
	s14 =	sand.u32 @!p1 s17, s14  }
0x16: {  	s15 =	ssub.s32 @!p1 $0x43, s15;
	p2 =	por !p2, p1;
	s14 =	ssub.s32 @!p1 s18, s14  }
0x17: {  	s16 =	simm.s32 @!p3 $0x0;
	s15 =	simm.s32 @!p2 $0x0;
	s17 =	sadd.s32 @!p1 $0xFFFFE800, s14  }
0x18: {  	s18 =	smov.u32 s12;
	s15 =	smul.u32 @!p1 s16, s15;
	p2 =	sgt.s32 @!p1 s17, $0x7FF  }
0x19: {  	s14 =	ssub.s32 @!p1 $0x2000, s14;
	s17 =	sadd.s32 $0x800, s11;
	p2 =	por !p2, p1  }
0x1a: {  	s16 =	sadd.s32 $0x8, s12;
	s14 =	simm.s32 @!p2 $0x0;
	p2 =	sgt.s32 s17, $0x1FFF  }
0x1b: {  	s19 =	smov.u32 s13;
	s18 =	smov.u32 @p2 s16  }
0x1c: {  	s14 =	smul.u32 @!p1 s14, s15;
	s15 =	sadd.s32 $0x20, s13;
	p3 =	sgt.s32 s18, $0x42  }
0x1d: {  	s8 =	sadd.s32 $0x1, s8;
	p0 =	por !p0, !p0;
	s19 =	smov.u32 @p3 s15  }
0x1e: {  	s20 =	simm.s32 @!p1 $0x2;
	s17 =	simm.s32 @p2 $0x0;
	p2 =	sgt.s32 s19, $0x1F  }
0x1f: {  	s16 =	smov.u32 s10;
	s19 =	smov.u32 @p2 s5;
	p2 =	sne.s32 s8, $0x26  }
.Ltmp1:
0x20: {  	s10 =	smov.u32 s13;
	s14 =	sand.u32 @!p1 $0x3FFFFFFF, s14;
	(pc) =	sbr.rel @!p2 .LBB1_8-.Ltmp1, $4  }
0x21: {  	s18 =	simm.s32 @p3 $0x0;
	s15 =	smov.u32 s9;
	s9 =	smov.u32 s12  }
0x22: {  	_ =	swait.ge @!p1 [sflag:s20], s14;
	s21 =	ssub.s32 @!p1 $0x0, s14;
	s14 =	smov.u32 s7  }
0x23: {  	s7 =	smov.u32 s11;
	s11 =	smov.u32 s17;
	[sflag:s20] =	ssyncset.done @!p1 $0x0  }
0x24: {  	s12 =	smov.u32 s18;
	[sflag:s20] =	ssyncadd.s32 @!p1 s21;
	s13 =	smov.u32 s19  }
.LBB1_1:
0x25: {  	p1 =	sgt.u32 s8, $0x23  }
0x26: {  	s17 =	sshll.u32 @!p1 s12, $0xD  }
0x27: {  	s18 =	sshll.u32 @!p1 s11, $0x3;
	s17 =	sand.u32 @!p1 $0xFFFF0000, s17  }
0x28: {  	s17 =	sadd.s32 @!p1 s17, s18  }
0x29: {  	s20 =	sshll.u32 @!p1 s12, $0x7;
	s17 =	sshrl.u32 @!p1 s17, $0xD  }
0x2a: {  	s21 =	sand.u32 @!p1 $0x78, s11;
	s20 =	sand.u32 @!p1 $0x380, s20;
	s19 =	smulhi.u32 @!p1 $0x38E38E4, s17  }
0x2b: {  	s20 =	sor.u32 @!p1 s20, s21;
	s21 =	smul.u32 @!p1 $0x12000, s13  }
0x2c: {  	s18 =	sand.u32 @!p1 $0x1C00, s18;
	s19 =	smul.u32 @!p1 $0x48, s19  }
0x2d: {  	s18 =	sor.u32 @!p1 s18, s20;
	s20 =	sxor.u32 @!p1 $0xFFFFFFFF, s8  }
0x2e: {  	s18 =	sshrl.u32 @!p1 s18, $0x3;
	s17 =	ssub.s32 @!p1 s17, s19;
	s19 =	sadd.s32 @!p1 s3, s21  }
0x2f: {  	s20 =	sshll.u32 @!p1 s20, $0xE;
	s17 =	sshll.u32 @!p1 s17, $0xA;
	s18 =	sadd.s32 @!p1 s18, s19  }
0x30: {  	s19 =	sand.u32 @!p1 $0x4000, s20;
	s17 =	sadd.s32 @!p1 s17, s18;
	s18 =	sand.u32 @!p1 $0x7, s11  }
0x31: {  	[tilespmem:s19], [sflag:$0x1] =	stream.linear.gather @!p1 [hbm4b:s17+s18], $0x4000, $0x38;
	[tilespmem:$0x10000] =	vst v63  }
0x32: {  	p1 =	seq.s32 s8, $0x0  }
0x33: {  	p2 =	seq.s32 @!p1 s8, $0x25  }
0x34: {  	p1 =	por p1, p2  }
.Ltmp2:
0x35: {  	_ = 	snop;
	(pc) =	sbr.rel @p1 .LBB1_7-.Ltmp2, $1  }
0x36: {  	_ =	sdelay $0x3  }
0x37: {  	s17 =	simm.s32 $0x1;
	_ =	swait.ge [sflag:s4], $0x4000;
	s20 =	sshll.u32 s8, $0xE  }
0x38: {  	s17 =	simm.s32 @!p0 $0x0;
	[sflag:s4] =	ssyncset.done $0x0;
	s31 =	sand.u32 $0x4000, s20  }
0x39: {  	s20 =	simm.s32 $0x0;
	s17 =	sshll.u32 s17, $0xE;
	[sflag:s4] =	ssyncadd.s32 $0xFFFFC000  }
0x3a: {  	s18 =	sor.u32 $0x8100, s17;
	s19 =	sor.u32 $0x800, s17;
	s17 =	sor.u32 $0x8000, s31  }
.LBB1_3:
0x3b: {  	v0 =	vld [tilespmem:s19+$0x470]  }
0x3c: {  	v1 =	vld [tilespmem:s19+$0xFFFFF810]  }
0x3d: {  	v2 =	vld [tilespmem:s19+$0xFFFFF820]  }
0x3e: {  	v3 =	vld [tilespmem:s19+$0xFFFFF830]  }
0x3f: {  	v4 =	vld [tilespmem:s19+$0xFFFFF840]  }
0x40: {  	v5 =	vld [tilespmem:s19+$0xFFFFF850];
	[tilespmem:s18+$0xF0] =	vst v0  }
0x41: {  	[tilespmem:s18+$0xFFFFFF10] =	vst v1;
	v0 =	vld [tilespmem:s19+$0xFFFFF860]  }
0x42: {  	[tilespmem:s18+$0xFFFFFF20] =	vst v2;
	v1 =	vld [tilespmem:s19+$0xFFFFF870]  }
0x43: {  	[tilespmem:s18+$0xFFFFFF30] =	vst v3;
	v2 =	vld [tilespmem:s19+$0xFFFFFC00]  }
0x44: {  	[tilespmem:s18+$0xFFFFFF40] =	vst v4;
	v3 =	vld [tilespmem:s19+$0xFFFFFC10]  }
0x45: {  	[tilespmem:s18+$0xFFFFFF50] =	vst v5;
	v4 =	vld [tilespmem:s19+$0xFFFFFC20]  }
0x46: {  	v5 =	vld [tilespmem:s19+$0x420];
	[tilespmem:s18+$0xFFFFFF60] =	vst v0  }
0x47: {  	v0 =	vld [tilespmem:s19+$0xFFFFFC30];
	[tilespmem:s18+$0xFFFFFF70] =	vst v1  }
0x48: {  	v1 =	vld [tilespmem:s19+$0xFFFFFC40];
	[tilespmem:s18+$0xFFFFFF80] =	vst v2  }
0x49: {  	[tilespmem:s18+$0xFFFFFF90] =	vst v3;
	v3 =	vld [tilespmem:s19+$0xFFFFFC60]  }
0x4a: {  	[tilespmem:s18+$0xFFFFFFA0] =	vst v4;
	v4 =	vld [tilespmem:s19+$0xFFFFFC70]  }
0x4b: {  	v2 =	vld [tilespmem:s19+$0xFFFFFC50];
	[tilespmem:s18+$0xA0] =	vst v5  }
0x4c: {  	[tilespmem:s18+$0xFFFFFFB0] =	vst v0;
	v0 =	vld [tilespmem:s19+$0x0]  }
0x4d: {  	[tilespmem:s18+$0xFFFFFFC0] =	vst v1;
	v1 =	vld [tilespmem:s19+$0x10]  }
0x4e: {  	[tilespmem:s18+$0xFFFFFFE0] =	vst v3;
	v3 =	vld [tilespmem:s19+$0x30]  }
0x4f: {  	[tilespmem:s18+$0xFFFFFFF0] =	vst v4;
	v4 =	vld [tilespmem:s19+$0x40]  }
0x50: {  	[tilespmem:s18+$0xFFFFFFD0] =	vst v2;
	v2 =	vld [tilespmem:s19+$0x20]  }
0x51: {  	[tilespmem:s18+$0x0] =	vst v0;
	v0 =	vld [tilespmem:s19+$0x50]  }
0x52: {  	[tilespmem:s18+$0x10] =	vst v1;
	v1 =	vld [tilespmem:s19+$0x60]  }
0x53: {  	[tilespmem:s18+$0x30] =	vst v3;
	v3 =	vld [tilespmem:s19+$0x400]  }
0x54: {  	[tilespmem:s18+$0x40] =	vst v4;
	v4 =	vld [tilespmem:s19+$0x410]  }
0x55: {  	[tilespmem:s18+$0x20] =	vst v2;
	v2 =	vld [tilespmem:s19+$0x70]  }
0x56: {  	[tilespmem:s18+$0x50] =	vst v0;
	v0 =	vld [tilespmem:s19+$0x430]  }
0x57: {  	[tilespmem:s18+$0x60] =	vst v1;
	v1 =	vld [tilespmem:s19+$0x440]  }
0x58: {  	[tilespmem:s18+$0x80] =	vst v3;
	v3 =	vld [tilespmem:s19+$0x450]  }
0x59: {  	[tilespmem:s18+$0x90] =	vst v4;
	v4 =	vld [tilespmem:s19+$0x460]  }
0x5a: {  	s22 =	simm.s32 $0x0;
	s23 =	sadd.s32 $0x1000, s19;
	s21 =	smov.u32 s18;
	[tilespmem:s18+$0x70] =	vst v2;
	v2 =	vld [tilespmem:s19+$0xFFFFF800]  }
.LBB1_4:
0x5b: {  	v5 =	vld [tilespmem:s23+$0x470];
	s22 =	sadd.s32 $0x200, s22;
	[tilespmem:s21+$0xB0] =	vst v0  }
0x5c: {  	v0 =	vld [tilespmem:s23+$0xFFFFF810];
	p1 =	slt.u32 s22, $0x600;
	[tilespmem:s21+$0xC0] =	vst v1  }
0x5d: {  	v1 =	vld [tilespmem:s23+$0xFFFFF820];
	[tilespmem:s21+$0xD0] =	vst v3  }
0x5e: {  	v3 =	vld [tilespmem:s23+$0xFFFFF830];
	[tilespmem:s21+$0xE0] =	vst v4  }
0x5f: {  	v4 =	vld [tilespmem:s23+$0xFFFFF840];
	[tilespmem:s21+$0xFFFFFF00] =	vst v2;
	s21 =	sadd.s32 $0x200, s21  }
0x60: {  	v2 =	vld [tilespmem:s23+$0xFFFFF850];
	[tilespmem:s21+$0xF0] =	vst v5  }
0x61: {  	[tilespmem:s21+$0xFFFFFF10] =	vst v0;
	v0 =	vld [tilespmem:s23+$0xFFFFF860]  }
0x62: {  	[tilespmem:s21+$0xFFFFFF20] =	vst v1;
	v1 =	vld [tilespmem:s23+$0xFFFFF870]  }
0x63: {  	[tilespmem:s21+$0xFFFFFF30] =	vst v3;
	v3 =	vld [tilespmem:s23+$0xFFFFFC00]  }
0x64: {  	[tilespmem:s21+$0xFFFFFF40] =	vst v4;
	v4 =	vld [tilespmem:s23+$0xFFFFFC10]  }
0x65: {  	[tilespmem:s21+$0xFFFFFF50] =	vst v2;
	v2 =	vld [tilespmem:s23+$0xFFFFFC20]  }
0x66: {  	[tilespmem:s21+$0xFFFFFF60] =	vst v0;
	v0 =	vld [tilespmem:s23+$0xFFFFFC30]  }
0x67: {  	[tilespmem:s21+$0xFFFFFF70] =	vst v1;
	v1 =	vld [tilespmem:s23+$0xFFFFFC40]  }
0x68: {  	[tilespmem:s21+$0xFFFFFF80] =	vst v3;
	v3 =	vld [tilespmem:s23+$0xFFFFFC50]  }
0x69: {  	[tilespmem:s21+$0xFFFFFF90] =	vst v4;
	v4 =	vld [tilespmem:s23+$0xFFFFFC60]  }
0x6a: {  	[tilespmem:s21+$0xFFFFFFA0] =	vst v2;
	v2 =	vld [tilespmem:s23+$0xFFFFFC70]  }
0x6b: {  	[tilespmem:s21+$0xFFFFFFB0] =	vst v0;
	v0 =	vld [tilespmem:s23+$0x0]  }
0x6c: {  	[tilespmem:s21+$0xFFFFFFC0] =	vst v1;
	v1 =	vld [tilespmem:s23+$0x10]  }
0x6d: {  	[tilespmem:s21+$0xFFFFFFD0] =	vst v3;
	v3 =	vld [tilespmem:s23+$0x20]  }
0x6e: {  	[tilespmem:s21+$0xFFFFFFE0] =	vst v4;
	v4 =	vld [tilespmem:s23+$0x30]  }
0x6f: {  	[tilespmem:s21+$0xFFFFFFF0] =	vst v2;
	v2 =	vld [tilespmem:s23+$0x40]  }
0x70: {  	[tilespmem:s21+$0x0] =	vst v0;
	v0 =	vld [tilespmem:s23+$0x50]  }
0x71: {  	[tilespmem:s21+$0x10] =	vst v1;
	v1 =	vld [tilespmem:s23+$0x60]  }
0x72: {  	[tilespmem:s21+$0x20] =	vst v3;
	v3 =	vld [tilespmem:s23+$0x70]  }
0x73: {  	[tilespmem:s21+$0x30] =	vst v4;
	v4 =	vld [tilespmem:s23+$0x400]  }
0x74: {  	[tilespmem:s21+$0x40] =	vst v2;
	v2 =	vld [tilespmem:s23+$0x410]  }
0x75: {  	[tilespmem:s21+$0x50] =	vst v0;
	v5 =	vld [tilespmem:s23+$0x420]  }
.Ltmp3:
0x76: {  	[tilespmem:s21+$0x60] =	vst v1;
	v0 =	vld [tilespmem:s23+$0x430];
	(pc) =	sbr.rel @p1 .LBB1_4-.Ltmp3, $4  }
0x77: {  	[tilespmem:s21+$0x70] =	vst v3;
	v1 =	vld [tilespmem:s23+$0x440]  }
0x78: {  	[tilespmem:s21+$0x80] =	vst v4;
	v3 =	vld [tilespmem:s23+$0x450]  }
0x79: {  	[tilespmem:s21+$0x90] =	vst v2;
	v4 =	vld [tilespmem:s23+$0x460]  }
0x7a: {  	v2 =	vld [tilespmem:s23+$0xFFFFF800];
	[tilespmem:s21+$0xA0] =	vst v5;
	s23 =	sadd.s32 $0x1000, s23  }
0x7b: {  	s20 =	sadd.s32 $0x1, s20  }
0x7c: {  	p1 =	sne.s32 s20, $0x8  }
.Ltmp4:
0x7d: {  	[tilespmem:s21+$0xB0] =	vst v0;
	(pc) =	sbr.rel @p1 .LBB1_3-.Ltmp4, $4  }
0x7e: {  	[tilespmem:s21+$0xC0] =	vst v1  }
0x7f: {  	[tilespmem:s21+$0xD0] =	vst v3  }
0x80: {  	[tilespmem:s21+$0xE0] =	vst v4  }
0x81: {  	s18 =	sadd.s32 $0x800, s18;
	s19 =	sadd.s32 $0x80, s19;
	[tilespmem:s21+$0xFFFFFF00] =	vst v2  }
0x82: {  	p1 =	sgt.s32 s10, $0x1F;
	s18 =	smov.u32 s10;
	s19 =	sshra.s32 s10, $0x1F  }
0x83: {  	s18 =	simm.s32 @!p1 $0x1F;
	s19 =	sand.u32 s19, s10  }
0x84: {  	p2 =	sgt.s32 s9, $0x3B;
	s20 =	sshra.s32 s9, $0x1F;
	s18 =	ssub.s32 s18, s19  }
0x85: {  	s21 =	sshra.s32 s7, $0x1F;
	s25 =	smul.u32 $0x10C00, s10;
	s19 =	sadd.s32 $0xFFFFFFE1, s18  }
0x86: {  	s26 =	sshll.u32 s9, $0xA;
	p1 =	sgt.s32 s19, $0x0;
	s19 =	smov.u32 s9  }
0x87: {  	s20 =	sand.u32 s20, s9;
	s21 =	sand.u32 s21, s7;
	s19 =	simm.s32 @!p2 $0x3B  }
0x88: {  	p2 =	sgt.s32 s7, $0x1800;
	s19 =	ssub.s32 s19, s20;
	s20 =	smov.u32 s7  }
0x89: {  	s18 =	ssub.s32 $0x20, s18;
	s22 =	sadd.s32 $0xFFFFFFC5, s19;
	s20 =	simm.s32 @!p2 $0x1800  }
0x8a: {  	s19 =	ssub.s32 $0x43, s19;
	p2 =	sgt.s32 s22, $0x7;
	s20 =	ssub.s32 s20, s21  }
0x8b: {  	s18 =	simm.s32 @p1 $0x0;
	s19 =	simm.s32 @p2 $0x0;
	s21 =	sadd.s32 $0xFFFFE800, s20  }
0x8c: {  	s18 =	smul.u32 s18, s19;
	p1 =	sgt.s32 s21, $0x7FF;
	s19 =	ssub.s32 $0x2000, s20  }
.Ltmp5:
0x8d: {  	s27 =	sshrl.u32 s7, $0x3;
	s19 =	simm.s32 @p1 $0x0;
	(pc) =	sbr.rel .LBB1_7-.Ltmp5, $4  }
0x8e: {  	s28 =	sand.u32 $0x7, s7;
	s20 =	sadd.s32 s2, s25;
	s18 =	smul.u32 s19, s18  }
0x8f: {  	s29 =	sand.u32 $0x3FF, s27;
	s30 =	sshll.u32 s28, $0x12;
	s19 =	sadd.s32 s26, s20  }
0x90: {  	s31 =	sor.u32 $0x800, s30;
	s19 =	sadd.s32 s29, s19;
	s18 =	sand.u32 $0x3FFFFFFF, s18  }
0x91: {  	[hbm4b:s19+s31] =	stream.strided.scatter [tilespmem:s17], [sflag:$0x2], s18, s6, s31, $0x38;
	[tilespmem:$0x10000] =	vst v63  }
.LBB1_8:
0x92: {  	_ =	sfence.sel $0x180000  }
0x93: {  	s2 =	simm.s32 $0x1;
	[bflag:$0x0] =	sbarrier.arrive $0xFFFF  }
0x94: {  	s31 =	simm.s32 $0x2;
	[sflag:s2] =	ssyncpa.u1 $0x1  }
0x95: {  	[sflag:s31] =	ssyncpa.u1 $0x1  }
0x96: {  	p0 =	sne.s32 s1, $0x0;
	_ =	strace $0x90000047  }
0x97: {  	s0 =	sadd.s32 @!p0 $0x100000, s0;
	[bflag:$0x2] =	sbarrier.arrive $0xFFFF  }
0x98: {  	[sflag:s0] =	ssyncadd.tile.s32 @!p0 $0x1;
	_ =	shalt  }
.Lfunc_end1:
_tile_overlayer_lowered:
.L_overlay_start_2:
0x99: {  	(tag) =	ssettag $0x2  }
0x9a: {  	s0 =	rddreg [dreg:$0x0];
	s2 =	stileid.u32  }
0x9b: {  	s1 =	rddreg [dreg:$0x1];
	p0 =	sne.s32 s2, $0x0  }
0x9c: {  	s3 =	rddreg [dreg:$0x2];
	[bflag:$0x3] =	sbarrier.arrive $0xFFFF;
	s2 =	simm.s32 @!p0 $0x1C01  }
0x9d: {  	[timem:s3], [sflag:s2] =	dma.local @!p0 [hbm:s0], s1  }
0x9e: {  	s0 =	simm.s32 @!p0 $0x1  }
0x9f: {  	_ =	swait.ge @!p0 [sflag:s0], s1  }
0xa0: {  	s1 =	ssub.s32 @!p0 $0x0, s1;
	[sflag:s0] =	ssyncset.done @!p0 $0x0  }
0xa1: {  	[sflag:s0] =	ssyncadd.s32 @!p0 s1  }
0xa2: {  	[bflag:$0x3] =	sbarrier.arrive $0xFFFF  }
0xa3: {  	_ =	shalt  }

</sc_bundles>
